<compile_context>
chip_gen: v7x
topology: tpu7x:2x2x1
jax: 0.10.2.dev20260603
libtpu: 0.0.44.dev20260713+nightly
codegen_flags: <defaults>
</compile_context>

<pallas_src>
import jax
import jax.numpy as jnp
from jax.experimental import pallas as pl


def _body(pre_ref, ctx_ref, suf_ref, out_ref):
    b, _, d = pre_ref.shape
    n_ctx = ctx_ref.shape[0]
    s = suf_ref.shape[1]
    out_ref[:, 0:1, :] = pre_ref[...]
    out_ref[:, 1:1 + n_ctx, :] = jnp.broadcast_to(ctx_ref[...][None], (b, n_ctx, d))
    out_ref[:, 1 + n_ctx:1 + n_ctx + s, :] = suf_ref[...]
    out_ref[:, 1 + n_ctx + s:, :] = jnp.zeros_like(out_ref[:, 1 + n_ctx + s:, :])


def kernel(ctx, token_prefix, token_suffix):
    n_cls, _, d = token_prefix.shape
    n_ctx = ctx.shape[0]
    s = token_suffix.shape[1]
    seq = 1 + n_ctx + s
    seq_pad = 80

    B = 50
    out = pl.pallas_call(
        _body,
        grid=(n_cls // B,),
        in_specs=[
            pl.BlockSpec((B, 1, d), lambda i: (i, 0, 0)),
            pl.BlockSpec((n_ctx, d), lambda i: (0, 0)),
            pl.BlockSpec((B, s, d), lambda i: (i, 0, 0)),
        ],
        out_specs=pl.BlockSpec((B, seq_pad, d), lambda i: (i, 0, 0)),
        out_shape=jax.ShapeDtypeStruct((n_cls, seq_pad, d), jnp.float32),
    )(token_prefix, ctx, token_suffix)
    return out[:, :seq, :]

# --- scband reference (transcript-rebuilt; emitter-appended) ---
"""Pipeline reference for scband-prompt-learner-73787538145754 (READ-ONLY COPY).

The authoritative reference and input builder live on the scoring server;
editing this copy changes nothing except your own understanding.
"""

import jax, jax.numpy as jnp
import numpy as np

N_CLS = 1000
N_CTX = 4
CTX_DIM = 512
SEQ_LEN = 77

def setup_inputs(seed: int = 0) -> dict:
    key = jax.random.key(seed)
    k1, k2, k3 = jax.random.split(key, 3)
    # learned context vectors (generic context, std=0.02 init as in CoOp)
    ctx = jax.random.normal(k1, (N_CTX, CTX_DIM), dtype=jnp.float32) * 0.02
    # frozen token embeddings registered as buffers: SOS prefix and class-name+EOS suffix
    token_prefix = jax.random.normal(k2, (N_CLS, 1, CTX_DIM), dtype=jnp.float32)
    token_suffix = jax.random.normal(k3, (N_CLS, SEQ_LEN - 1 - N_CTX, CTX_DIM), dtype=jnp.float32)
    return {"ctx": ctx, "token_prefix": token_prefix, "token_suffix": token_suffix}

def reference(ctx, token_prefix, token_suffix):
    # Faithful to CoOp-style PromptLearner.forward with class_token_position='end':
    #   if ctx.dim() == 2: ctx = ctx.unsqueeze(0).expand(n_cls, -1, -1)
    #   prompts = torch.cat([prefix, ctx, suffix], dim=1)
    n_cls = token_prefix.shape[0]
    if ctx.ndim == 2:
        ctx = jnp.broadcast_to(ctx[None, :, :], (n_cls, ctx.shape[0], ctx.shape[1]))
    prompts = jnp.concatenate([token_prefix, ctx, token_suffix], axis=1)
    return prompts

if __name__ == "__main__":
    import jax
    _d = setup_inputs()
    print(jax.jit(kernel)(*tuple(_d.values())))

</pallas_src>

<mosaic_0001>
module attributes {stable_mosaic.version = 14 : i64} {
  func.func @_body(%arg0: i32, %arg1: memref<50x1x512xf32, #tpu.memory_space<vmem>>, %arg2: memref<4x512xf32, #tpu.memory_space<vmem>>, %arg3: memref<50x72x512xf32, #tpu.memory_space<vmem>>, %arg4: memref<50x80x512xf32, #tpu.memory_space<vmem>>) attributes {dimension_semantics = [#tpu.dimension_semantics<arbitrary>], iteration_bounds = array<i64: 20>, scalar_prefetch = 0 : i64, scratch_operands = 0 : i64, tpu.core_type = #tpu.core_type<tc>, window_params = [{transform_indices = @transform_0, window_bounds = array<i64: 50, 1, 512>}, {pipeline_mode = #tpu.pipeline_mode<synchronous>, transform_indices = @transform_1, window_bounds = array<i64: 4, 512>}, {transform_indices = @transform_2, window_bounds = array<i64: 50, 72, 512>}, {transform_indices = @transform_3, window_bounds = array<i64: 50, 80, 512>}]} {
    %get3A = arith.constant 0 : index
    %get3A_0 = arith.constant 0 : index
    %get3A_1 = arith.constant 0 : index
    %get3A_2 = vector.load %arg1[%get3A, %get3A_0, %get3A_1] : memref<50x1x512xf32, #tpu.memory_space<vmem>>, vector<50x1x512xf32>
    %swap3A = arith.constant 0 : index
    %swap3A_3 = arith.constant 0 : index
    %swap3A_4 = arith.constant 0 : index
    %swap3A_5 = vector.load %arg4[%swap3A, %swap3A_3, %swap3A_4] : memref<50x80x512xf32, #tpu.memory_space<vmem>>, vector<50x1x512xf32>
    tpu.vector_store %arg4[%swap3A, %swap3A_3, %swap3A_4], %get3A_2 {strides = array<i32>} : memref<50x80x512xf32, #tpu.memory_space<vmem>>, vector<50x1x512xf32>,
    %get3A_6 = arith.constant 0 : index
    %get3A_7 = arith.constant 0 : index
    %get3A_8 = vector.load %arg2[%get3A_6, %get3A_7] : memref<4x512xf32, #tpu.memory_space<vmem>>, vector<4x512xf32>
    %broadcast_in_dim3A = vector.shape_cast %get3A_8 : vector<4x512xf32> to vector<1x4x512xf32>
    %broadcast_in_dim3A_9 = vector.shape_cast %broadcast_in_dim3A : vector<1x4x512xf32> to vector<1x4x512xf32>
    %broadcast_in_dim3A_10 = vector.broadcast %broadcast_in_dim3A_9 : vector<1x4x512xf32> to vector<50x4x512xf32>
    %swap3A_11 = arith.constant 0 : index
    %swap3A_12 = arith.constant 1 : index
    %swap3A_13 = arith.constant 0 : index
    %swap3A_14 = vector.load %arg4[%swap3A_11, %swap3A_12, %swap3A_13] : memref<50x80x512xf32, #tpu.memory_space<vmem>>, vector<50x4x512xf32>
    tpu.vector_store %arg4[%swap3A_11, %swap3A_12, %swap3A_13], %broadcast_in_dim3A_10 {strides = array<i32>} : memref<50x80x512xf32, #tpu.memory_space<vmem>>, vector<50x4x512xf32>,
    %get3A_15 = arith.constant 0 : index
    %get3A_16 = arith.constant 0 : index
    %get3A_17 = arith.constant 0 : index
    %get3A_18 = vector.load %arg3[%get3A_15, %get3A_16, %get3A_17] : memref<50x72x512xf32, #tpu.memory_space<vmem>>, vector<50x72x512xf32>
    %swap3A_19 = arith.constant 0 : index
    %swap3A_20 = arith.constant 5 : index
    %swap3A_21 = arith.constant 0 : index
    %swap3A_22 = vector.load %arg4[%swap3A_19, %swap3A_20, %swap3A_21] : memref<50x80x512xf32, #tpu.memory_space<vmem>>, vector<50x72x512xf32>
    tpu.vector_store %arg4[%swap3A_19, %swap3A_20, %swap3A_21], %get3A_18 {strides = array<i32>} : memref<50x80x512xf32, #tpu.memory_space<vmem>>, vector<50x72x512xf32>,
    %broadcast_in_dim3A_23 = arith.constant 0.000000e+00 : f32
    %broadcast_in_dim3A_24 = vector.broadcast %broadcast_in_dim3A_23 : f32 to vector<50x3x512xf32>
    %swap3A_25 = arith.constant 0 : index
    %swap3A_26 = arith.constant 77 : index
    %swap3A_27 = arith.constant 0 : index
    %swap3A_28 = vector.load %arg4[%swap3A_25, %swap3A_26, %swap3A_27] : memref<50x80x512xf32, #tpu.memory_space<vmem>>, vector<50x3x512xf32>
    tpu.vector_store %arg4[%swap3A_25, %swap3A_26, %swap3A_27], %broadcast_in_dim3A_24 {strides = array<i32>} : memref<50x80x512xf32, #tpu.memory_space<vmem>>, vector<50x3x512xf32>,
    return
  }
  func.func @transform_0(%arg0: i32) -> (i32, i32, i32) {
    %c0_i32 = arith.constant 0 : i32
    %c0_i32_0 = arith.constant 0 : i32
    %c0_i32_1 = arith.constant 0 : i32
    return %arg0, %c0_i32, %c0_i32_0 : i32, i32, i32
  }
  func.func @transform_1(%arg0: i32) -> (i32, i32) {
    %c0_i32 = arith.constant 0 : i32
    %c0_i32_0 = arith.constant 0 : i32
    %c0_i32_1 = arith.constant 0 : i32
    return %c0_i32, %c0_i32_0 : i32, i32
  }
  func.func @transform_2(%arg0: i32) -> (i32, i32, i32) {
    %c0_i32 = arith.constant 0 : i32
    %c0_i32_0 = arith.constant 0 : i32
    %c0_i32_1 = arith.constant 0 : i32
    return %arg0, %c0_i32, %c0_i32_0 : i32, i32, i32
  }
  func.func @transform_3(%arg0: i32) -> (i32, i32, i32) {
    %c0_i32 = arith.constant 0 : i32
    %c0_i32_0 = arith.constant 0 : i32
    %c0_i32_1 = arith.constant 0 : i32
    return %arg0, %c0_i32, %c0_i32_0 : i32, i32, i32
  }
}

</mosaic_0001>

<sc_bundles>
// kernel: sparse-core-data-format-call.cloned.1.call-start
scs
called_computation_lowered:
.L_overlay_start_0:
0x0: {  	s2 =	sld [smem:$0x3FD9]  }
0x1: {  	s3 =	sld [smem:$0x3FFE];
	_ =	sdelay $0x1  }
0x2: {  	s1 =	srdreg.scid  }
0x3: {  	s0 =	sand.u32 $0x1, s1  }
0x4: {  	s18 =	sshll.u32 s0, $0xA;
	s2 =	sadd.s32 s3, s2  }
0x5: {  	s2 =	sadd.s32 s2, s18  }
0x6: {  	[smem:$0x3FC5] =	sst s2  }
0x7: {  	_ = 	snop  }
0x8: {  	s2 =	sld [smem:$0x3FD0];
	(tm) =	ssettm $0x1  }
0x9: {  	s19 =	sld [smem:$0x3FFB];
	_ =	sdelay $0x3  }
0xa: {  	_ =	strace s19  }
0xb: {  	s3 =	sld [smem:$0x3FFC];
	_ =	sdelay $0x3  }
0xc: {  	_ =	strace s3  }
0xd: {  	s3 =	sld [smem:$0x3FFD];
	_ =	sdelay $0x3  }
0xe: {  	_ =	strace s3  }
0xf: {  	_ =	strace $0x8FFFFFFF  }
0x10: {  	s20 =	sld [smem:$0x3FDB];
	_ =	sdelay $0x1  }
0x11: {  	s4 =	simm.s32 $_scs_section_size  }
0x12: {  	s5 =	simm.s32 $_size__tile_overlayer_lowered;
	s6 =	simm.s32 $_tile_overlayer_lowered  }
0x13: {  	s23 =	simm.s32 $0x1BFF;
	s22 =	sshll.u32 s6, $0x1;
	s3 =	sadd.s32 s4, s20  }
0x14: {  	s7 =	simm.s32 $0x0;
	s21 =	sshll.u32 s5, $0x1;
	s5 =	sadd.s32 s22, s3  }
0x15: {  	[timem:s7], [sflag:s23] =	dma.local [hbm:s5], s21  }
0x16: {  	_ =	swait.ge [sflag:s23], s21  }
0x17: {  	s4 =	ssub.s32 $0x0, s21;
	[sflag:s23] =	ssyncset.done $0x0  }
0x18: {  	[sflag:s23] =	ssyncadd.s32 s4;
	_ =	sdelay $0x1  }
0x19: {  	s24 =	simm.s32 $0x1B8B  }
0x1a: {  	_ =	swait.ge [sflag:s24], $0x1  }
0x1b: {  	[sflag:s24] =	ssyncset.done $0x0  }
0x1c: {  	s26 =	simm.s32 $0x1B8E;
	s25 =	sld [smem:$0x3FFE];
	[sflag:s24] =	ssyncadd.s32 $0xFFFFFFFF  }
0x1d: {  	s27 =	simm.s32 $execute0_lowered;
	[smem:$0x3FD2] =	sst s26  }
0x1e: {  	s5 =	sshll.u32 s27, $0x1;
	_ =	strace $0x80000046;
	[dreg:$0x1] =	wrdreg $0xFFFFFFFF  }
0x1f: {  	s28 =	simm.s32 $_size_execute0_lowered;
	s3 =	sadd.s32 s3, s5;
	[dreg:$0x0] =	wrdreg $0x0  }
0x20: {  	s5 =	sshll.u32 s28, $0x1;
	[dreg:$0x2] =	wrdreg s3  }
0x21: {  	[dreg:$0x3] =	wrdreg s5  }
0x22: {  	[dreg:$0x4] =	wrdreg $0xC0  }
0x23: {  	_ =	task [dreg:s7], $0x5FFFF  }
0x24: {  	[dreg:$0x1] =	wrdreg $0xFFFFFFFF  }
0x25: {  	[dreg:$0x0] =	wrdreg $0x60  }
0x26: {  	[dreg:$0x2] =	wrdreg s25  }
0x27: {  	[dreg:$0x3] =	wrdreg s2  }
0x28: {  	[dreg:$0x4] =	wrdreg $0x9  }
0x29: {  	_ =	task.clear_ibuf [dreg:s7], $0x5FFFF;
	_ =	strace $0x90000046  }
0x2a: {  	s29 =	simm.s32 $0x9;
	_ =	strace $0x80000048  }
0x2b: {  	_ =	swait.ge [sflag:s29], $0x1  }
0x2c: {  	[sflag:s29] =	ssyncadd.s32 $0xFFFFFFFF  }
0x2d: {  	_ =	strace $0x90000048  }
0x2e: {  	_ =	sfence  }
0x2f: {  	s30 =	sld [smem:$0x0];
	_ =	sdelay $0x2  }
0x30: {  	s31 =	sshll.u32 s1, $0xD;
	s1 =	sshrl.u32 s1, $0x2  }
0x31: {  	s3 =	sand.u32 $0x4000, s31;
	s1 =	sadd.s32 s1, s30  }
0x32: {  	s0 =	sor.u32 s3, s0;
	s1 =	sshll.u32 s1, $0x11  }
0x33: {  	s0 =	sor.u32 s1, s0  }
0x34: {  	s0 =	sadd.s32 $0x8F2B, s0  }
0x35: {  	[sflag:s0] =	ssyncadd.remote.s32 $0x1  }
0x36: {  	_ =	sfence.sel $0xFFFF  }
0x37: {  	[dreg:$0x0] =	wrdreg $0xFFFFFFFF;
	(pc) =	sbr.abs _section_cstart, $3  }
0x38: {  	[dreg:$0x1] =	wrdreg $0xFFFFFFFF  }
0x39: {  	_ =	task.clear_ibuf [dreg:s7], $0x2FFFF;
	_ =	strace $0x9FFFFFFF  }
0x3a: {  	(tm) =	ssettm $0x7FFFFFFF  }
0x3b: {  	_ =	shalt  }
tec
execute0_lowered:
.L_overlay_start_1:
0x0: {  	(tag) =	ssettag $0x1  }
0x1: {  	s0 =	srdreg.scid  }
0x2: {  	s5 =	stileid.u32;
	s0 =	sshll.u32 s0, $0x4  }
0x3: {  	s3 =	rddreg [dreg:$0x0];
	_ =	strace $0x80000047;
	s0 =	sand.u32 $0x10, s0  }
0x4: {  	s6 =	simm.s32 $0x1;
	s8 =	simm.s32 $0x2;
	s0 =	sor.u32 s5, s0  }
0x5: {  	s19 =	simm.s32 $0x0;
	s10 =	simm.s32 $0x400;
	s1 =	sshll.u32 s0, $0x4  }
0x6: {  	s11 =	simm.s32 $0x1000;
	s12 =	simm.s32 $0x0;
	s2 =	sand.u32 $0x180, s1  }
0x7: {  	s18 =	simm.s32 $0x0;
	s20 =	simm.s32 $0x0;
	s1 =	ssub.s32 $0x200, s2  }
0x8: {  	s13 =	simm.s32 $0x0;
	s14 =	simm.s32 $0x0;
	s4 =	sand.u32 $0x180, s1  }
0x9: {  	s15 =	simm.s32 $0x0;
	s17 =	simm.s32 $0x0;
	p0 =	sne.s32 s4, $0x0  }
.Ltmp0:
0xa: {  	s1 =	sshrl.u32 s1, $0x9;
	s6 =	simm.s32 @!p0 $0x0;
	(pc) =	sbr.rel .LBB1_1-.Ltmp0, $4  }
0xb: {  	s31 =	sshll.u32 s5, $0x7;
	s5 =	simm.s32 $0x1;
	s1 =	sadd.s32 s6, s1  }
0xc: {  	s7 =	sand.u32 $0x380, s31;
	[sflag:s5] =	ssyncpa.u1 $0x0;
	s6 =	smul.u32 $0x4D, s1  }
0xd: {  	s16 =	smov.u32 s7;
	s0 =	sshll.u32 s0, $0x7;
	[sflag:s8] =	ssyncpa.u1 $0x0  }
0xe: {  	s8 =	sand.u32 $0xC00, s0;
	s4 =	sadd.s32 $0x800, s3;
	s9 =	sadd.s32 $0x1, s6  }
.LBB1_9:
0xf: {  	s0 =	sshll.u32 s14, $0x9  }
0x10: {  	s1 =	sshll.u32 s20, $0x3;
	s3 =	sshll.u32 s14, $0x7;
	s0 =	sand.u32 $0xFFFFF000, s0  }
0x11: {  	s24 =	sand.u32 $0x200, s3;
	s0 =	sor.u32 s0, s1  }
0x12: {  	s0 =	sor.u32 s24, s0  }
0x13: {  	p0 =	sgt.s32 s13, $0x4C;
	s1 =	smov.u32 s13;
	s0 =	sshrl.u32 s0, $0x9  }
0x14: {  	s1 =	simm.s32 @!p0 $0x4C;
	s25 =	smulhi.u32 $0x83126F, s0  }
0x15: {  	s27 =	smul.u32 $0xFA00, s13;
	s28 =	sshll.u32 s14, $0x4;
	s1 =	sadd.s32 s21, s1  }
0x16: {  	s30 =	rddreg [dreg:$0x1];
	s26 =	sadd.s32 $0xFFFFFFB4, s1;
	s3 =	sshrl.u32 s25, $0x1  }
0x17: {  	s1 =	ssub.s32 $0x4D, s1;
	p0 =	sgt.s32 s26, $0x0;
	s3 =	smul.u32 $0x3E8, s3  }
0x18: {  	s29 =	sshll.u32 s17, $0xE;
	s20 =	sadd.s32 s30, s27;
	s1 =	simm.s32 @p0 $0x0  }
0x19: {  	s1 =	smul.u32 s1, s22;
	s0 =	ssub.s32 s0, s3;
	s3 =	sand.u32 $0x30, s28  }
0x1a: {  	s21 =	sand.u32 $0x4000, s29;
	s0 =	sshll.u32 s0, $0x6;
	s3 =	sadd.s32 s3, s20  }
0x1b: {  	s31 =	sor.u32 $0x8000, s21;
	s1 =	sand.u32 $0x3FFFFF80, s1;
	s0 =	sadd.s32 s0, s3  }
0x1c: {  	[hbm4b:s0+s10] =	stream.strided.scatter [tilespmem:s31], [sflag:$0x2], s1, s11, s10, $0x38;
	[tilespmem:$0x10000] =	vst v63  }
.LBB1_10:
0x1d: {  	p0 =	slt.u32 s17, $0x2  }
0x1e: {  	p1 =	sgt.s32 @!p0 s19, $0x4C  }
0x1f: {  	s0 =	smov.u32 s19;
	s3 =	smov.u32 s18;
	p1 =	por !p1, p0  }
0x20: {  	s1 =	sshra.s32 @!p0 s19, $0x1F;
	s0 =	simm.s32 @p1 $0x4C;
	p1 =	sgt.s32 @!p0 s18, $0x368  }
0x21: {  	s1 =	sand.u32 @!p0 s1, s19;
	s19 =	sshra.s32 @!p0 s18, $0x1F;
	p1 =	por !p1, p0  }
0x22: {  	s0 =	ssub.s32 @!p0 s0, s1;
	s1 =	sand.u32 @!p0 s19, s18;
	s3 =	simm.s32 @p1 $0x368  }
0x23: {  	s1 =	ssub.s32 @!p0 s3, s1  }
0x24: {  	s18 =	sadd.s32 @!p0 $0xFFFFFFB4, s0;
	s0 =	ssub.s32 @!p0 $0x4D, s0;
	s1 =	sadd.s32 @!p0 $0xFFFFFC98, s1  }
0x25: {  	p1 =	sgt.s32 @!p0 s18, $0x0;
	p2 =	sgt.s32 @!p0 s1, $0x7F;
	s1 =	sshll.u32 @!p0 s1, $0x7  }
0x26: {  	p1 =	por !p1, p0;
	s1 =	ssub.s32 @!p0 $0x4000, s1;
	p2 =	por !p2, p0  }
0x27: {  	s0 =	simm.s32 @!p1 $0x0;
	s1 =	simm.s32 @!p2 $0x0  }
0x28: {  	s0 =	smul.u32 @!p0 s0, s1;
	s1 =	sadd.s32 $0x1, s15  }
0x29: {  	s21 =	smov.u32 s16;
	s18 =	sadd.s32 $0x400, s16;
	p1 =	sgt.s32 s1, $0x4C  }
0x2a: {  	s21 =	smov.u32 @p1 s18  }
0x2b: {  	s1 =	simm.s32 @p1 $0x0;
	p1 =	sgt.s32 s21, $0x3E7  }
0x2c: {  	s12 =	sadd.s32 $0x4000, s12;
	s21 =	smov.u32 @p1 s7;
	p1 =	sne.s32 s17, s9  }
.Ltmp1:
0x2d: {  	s20 =	smov.u32 s2;
	s19 =	smov.u32 s13;
	(pc) =	sbr.rel @!p1 .LBB1_11-.Ltmp1, $4  }
0x2e: {  	s13 =	smov.u32 s15;
	s3 =	simm.s32 @!p0 $0x2;
	s0 =	sand.u32 @!p0 $0x3FFFFF80, s0  }
0x2f: {  	s18 =	smov.u32 s14;
	s14 =	smov.u32 s16;
	_ =	swait.ge @!p0 [sflag:s3], s0  }
0x30: {  	s0 =	ssub.s32 @!p0 $0x0, s0;
	s15 =	smov.u32 s1;
	[sflag:s3] =	ssyncset.done @!p0 $0x0  }
0x31: {  	s17 =	sadd.s32 $0x1, s17;
	[sflag:s3] =	ssyncadd.s32 @!p0 s0;
	s16 =	smov.u32 s21  }
.LBB1_1:
0x32: {  	p0 =	sge.u32 s17, s6;
	s21 =	smov.u32 s16;
	s31 =	sadd.s32 $0xFFFFFFFF, s17  }
0x33: {  	s0 =	sshll.u32 @!p0 s15, $0x9;
	s1 =	sshll.u32 @!p0 s15, $0x7;
	p1 =	sgt.s32 @!p0 s16, $0x368  }
0x34: {  	p2 =	sgt.s32 @!p0 s15, $0x4F;
	s3 =	sshra.s32 @!p0 s15, $0x1F;
	s22 =	sshra.s32 @!p0 s16, $0x1F  }
0x35: {  	s0 =	sand.u32 @!p0 $0xFFFFF000, s0;
	s1 =	sand.u32 @!p0 $0x200, s1;
	p1 =	por !p1, p0  }
0x36: {  	p2 =	por !p2, p0;
	s22 =	sand.u32 @!p0 s22, s16;
	s0 =	sor.u32 @!p0 s8, s0  }
0x37: {  	s21 =	simm.s32 @p1 $0x368;
	s0 =	sor.u32 @!p0 s1, s0;
	s1 =	smov.u32 s15  }
0x38: {  	s3 =	sand.u32 @!p0 s3, s15;
	s21 =	ssub.s32 @!p0 s21, s22;
	s1 =	simm.s32 @p2 $0x4F  }
0x39: {  	s0 =	sshrl.u32 @!p0 s0, $0x9;
	s21 =	sadd.s32 @!p0 $0xFFFFFC98, s21;
	s1 =	ssub.s32 @!p0 s1, s3  }
0x3a: {  	s3 =	smulhi.u32 @!p0 $0x3333334, s0;
	p2 =	sgt.s32 @!p0 s21, $0x7F;
	s22 =	sadd.s32 @!p0 $0xFFFFFFB1, s1  }
0x3b: {  	s21 =	sshll.u32 @!p0 s21, $0x7;
	s1 =	ssub.s32 @!p0 $0x50, s1;
	p1 =	sgt.s32 @!p0 s22, $0x0  }
0x3c: {  	s21 =	ssub.s32 @!p0 $0x4000, s21;
	s3 =	smul.u32 @!p0 $0x50, s3;
	p1 =	por !p1, p0  }
0x3d: {  	s22 =	sxor.u32 @!p0 $0xFFFFFFFF, s17;
	s1 =	simm.s32 @!p1 $0x0;
	p1 =	por !p2, p0  }
0x3e: {  	s0 =	ssub.s32 @!p0 s0, s3;
	s3 =	smul.u32 @!p0 $0x1400, s16;
	s21 =	simm.s32 @!p1 $0x0  }
0x3f: {  	s22 =	sshll.u32 @!p0 s22, $0xE;
	s1 =	smul.u32 @!p0 s1, s21;
	s21 =	sshll.u32 @!p0 s15, $0x4  }
0x40: {  	s22 =	sand.u32 @!p0 $0x4000, s22;
	s3 =	sadd.s32 @!p0 s4, s3;
	s21 =	sand.u32 @!p0 $0x30, s21  }
0x41: {  	s0 =	sshll.u32 @!p0 s0, $0x6;
	s1 =	sand.u32 @!p0 $0x3FFFFF80, s1;
	s3 =	sadd.s32 @!p0 s21, s3  }
0x42: {  	s21 =	simm.s32 @!p0 $0xA000;
	s0 =	sadd.s32 @!p0 s0, s3;
	s3 =	simm.s32 @!p0 $0x80  }
0x43: {  	[tilespmem:s22], [sflag:$0x1] =	stream.strided.gather @!p0 [hbm4b:s0+s3], s1, s21, s3, $0x38;
	[tilespmem:$0x10000] =	vst v63  }
0x44: {  	p0 =	sge.u32 s31, s6  }
.Ltmp2:
0x45: {  	_ = 	snop;
	(pc) =	sbr.rel @p0 .LBB1_10-.Ltmp2, $1  }
0x46: {  	_ =	sdelay $0x3  }
0x47: {  	p0 =	sgt.s32 s14, $0x368;
	s0 =	smov.u32 s14;
	s1 =	sshra.s32 s14, $0x1F  }
0x48: {  	s3 =	ssub.s32 $0x0, s13;
	s0 =	simm.s32 @!p0 $0x368;
	s1 =	sand.u32 s1, s14  }
0x49: {  	s21 =	sshra.s32 s13, $0x1F;
	s22 =	smov.u32 s13;
	s0 =	ssub.s32 s0, s1  }
0x4a: {  	p0 =	sgt.s32 s13, $0x4F;
	s21 =	sand.u32 s3, s21;
	s0 =	sadd.s32 $0xFFFFFC98, s0  }
0x4b: {  	s22 =	simm.s32 @!p0 $0x4F;
	p0 =	sgt.s32 s0, $0x7F;
	s0 =	sshll.u32 s0, $0x7  }
0x4c: {  	s29 =	sadd.s32 s21, s22;
	s22 =	ssub.s32 $0x4000, s0;
	s0 =	sadd.s32 $0x80, s14  }
0x4d: {  	s3 =	sadd.s32 $0x1, s13;
	s22 =	simm.s32 @p0 $0x0;
	p0 =	slt.s32 s0, $0x3E8  }
0x4e: {  	s30 =	sadd.s32 $0xFFFFFFB1, s29;
	s0 =	simm.s32 @!p0 $0x3E8;
	p0 =	slt.s32 s3, $0x4D  }
0x4f: {  	s1 =	ssub.s32 $0x50, s29;
	s23 =	ssub.s32 s0, s14;
	s3 =	simm.s32 @!p0 $0x4D  }
0x50: {  	p1 =	sgt.s32 s30, $0x0;
	s24 =	ssub.s32 s3, s13;
	p0 =	slt.s32 s23, $0x1  }
0x51: {  	s1 =	simm.s32 @p1 $0x0;
	p1 =	slt.s32 @!p0 s24, $0x1  }
0x52: {  	s1 =	smul.u32 s1, s22;
	p0 =	por p0, p1  }
.Ltmp3:
0x53: {  	_ = 	snop;
	(pc) =	sbr.rel @p0 .LBB1_9-.Ltmp3, $4  }
0x54: {  	s31 =	sand.u32 $0x3FFFFF80, s1  }
0x55: {  	_ =	swait.ge [sflag:s5], s31  }
0x56: {  	s0 =	ssub.s32 $0x0, s31;
	[sflag:s5] =	ssyncset.done $0x0  }
0x57: {  	[sflag:s5] =	ssyncadd.s32 s0  }
0x58: {  	s0 =	sshll.u32 s12, $0x2  }
0x59: {  	s0 =	sand.u32 $0x10000, s0  }
0x5a: {  	s25 =	sshrl.u32 s0, $0x2  }
0x5b: {  	s27 =	simm.s32 $0x0;
	s28 =	simm.s32 $0x0;
	s26 =	sor.u32 $0x8000, s25  }
.LBB1_4:
0x5c: {  	s0 =	sand.u32 $0x3F80, s27  }
0x5d: {  	s30 =	simm.s32 $0x0;
	s31 =	simm.s32 $0x0;
	s3 =	sadd.s32 s0, s26  }
.LBB1_5:
0x5e: {  	s0 =	sand.u32 $0x7, s30  }
0x5f: {  	s0 =	sadd.s32 s0, s28  }
0x60: {  	s0 =	sshll.u32 s0, $0x9  }
0x61: {  	s0 =	sshra.s32 s0, $0x2  }
0x62: {  	s29 =	smov.u32 s3;
	s1 =	sadd.s32 s0, s25;
	s0 =	simm.s32 $0xFFFFFFF0  }
.LBB1_6:
0x63: {  	s0 =	sadd.s32 $0x10, s0  }
0x64: {  	v0 =	vld [tilespmem:s1+$0x0];
	p0 =	slt.u32 s0, $0x70  }
.Ltmp4:
0x65: {  	_ = 	snop;
	(pc) =	sbr.rel @p0 .LBB1_6-.Ltmp4, $2  }
0x66: {  	_ =	sdelay $0x2  }
0x67: {  	s1 =	sadd.s32 $0x10, s1;
	[tilespmem:s29+$0x0] =	vst v0;
	s29 =	sadd.s32 $0x10, s29  }
0x68: {  	s31 =	sadd.s32 $0x1, s31  }
0x69: {  	p0 =	sne.s32 s31, s24  }
.Ltmp5:
0x6a: {  	_ = 	snop;
	(pc) =	sbr.rel @p0 .LBB1_5-.Ltmp5, $2  }
0x6b: {  	_ =	sdelay $0x2  }
0x6c: {  	s3 =	sadd.s32 $0x4000, s3;
	s30 =	sadd.s32 $0x1, s30  }
0x6d: {  	s28 =	sadd.s32 $0x1, s28  }
0x6e: {  	p0 =	sne.s32 s28, s23  }
.Ltmp6:
0x6f: {  	_ = 	snop;
	(pc) =	sbr.rel @p0 .LBB1_4-.Ltmp6, $4  }
.Ltmp7:
0x70: {  	_ = 	snop;
	(pc) =	sbr.rel @!p0 .LBB1_9-.Ltmp7, $4  }
0x71: {  	_ = 	snop  }
0x72: {  	_ = 	snop  }
0x73: {  	s27 =	sadd.s32 $0x80, s27  }
0x74: {  	_ = 	snop  }
.LBB1_11:
0x75: {  	_ =	sfence.sel $0x180000  }
0x76: {  	s0 =	simm.s32 $0x1;
	[bflag:$0x0] =	sbarrier.arrive $0xFFFF  }
0x77: {  	s30 =	simm.s32 $0x2;
	[sflag:s0] =	ssyncpa.u1 $0x1  }
0x78: {  	[sflag:s30] =	ssyncpa.u1 $0x1  }
0x79: {  	_ =	strace $0x90000047  }
0x7a: {  	s31 =	stileid.u32;
	[bflag:$0x2] =	sbarrier.arrive $0xFFFF  }
0x7b: {  	p0 =	sne.s32 s31, $0x0;
	s0 =	rddreg [dreg:$0x2]  }
0x7c: {  	s0 =	sadd.s32 @!p0 $0x100000, s0  }
0x7d: {  	[sflag:s0] =	ssyncadd.tile.s32 @!p0 $0x1;
	_ =	shalt  }
.Lfunc_end1:
_tile_overlayer_lowered:
.L_overlay_start_2:
0x7e: {  	(tag) =	ssettag $0x2  }
0x7f: {  	s0 =	rddreg [dreg:$0x0];
	s2 =	stileid.u32  }
0x80: {  	s1 =	rddreg [dreg:$0x1];
	p0 =	sne.s32 s2, $0x0  }
0x81: {  	s3 =	rddreg [dreg:$0x2];
	[bflag:$0x3] =	sbarrier.arrive $0xFFFF;
	s2 =	simm.s32 @!p0 $0x1C01  }
0x82: {  	[timem:s3], [sflag:s2] =	dma.local @!p0 [hbm:s0], s1  }
0x83: {  	s0 =	simm.s32 @!p0 $0x1  }
0x84: {  	_ =	swait.ge @!p0 [sflag:s0], s1  }
0x85: {  	s1 =	ssub.s32 @!p0 $0x0, s1;
	[sflag:s0] =	ssyncset.done @!p0 $0x0  }
0x86: {  	[sflag:s0] =	ssyncadd.s32 @!p0 s1  }
0x87: {  	[bflag:$0x3] =	sbarrier.arrive $0xFFFF  }
0x88: {  	_ =	shalt  }

</sc_bundles>
